<compile_context>
chip_gen: v7x
topology: tpu7x:2x2x1
jax: 0.10.2.dev20260603
libtpu: 0.0.44.dev20260713+nightly
codegen_flags: <defaults>
</compile_context>

<pallas_src>
import functools

import numpy as np
import jax
import jax.numpy as jnp
from jax import lax
from jax.experimental import pallas as pl
from jax.experimental.pallas import tpu as pltpu
from jax.experimental.pallas import tpu_sc as plsc

NUM_E = 1024
DIM = 64
N_ROWS = 4608
BLK = 2304
GRID = N_ROWS // BLK

_LOSS_SCALE = np.float32(np.float32(1.0 / (N_ROWS * DIM)) +
                         np.float32(0.25 / (N_ROWS * DIM)))


def _dist_argmin_kernel(x_ref, c_ref, idx_ref, loss_ref):
    xT = x_ref[...].T
    xx = xT * xT
    acc = xx[0:8] + xx[8:16]
    acc = acc + xx[16:24]
    acc = acc + xx[24:32]
    acc = acc + xx[32:40]
    acc = acc + xx[40:48]
    acc = acc + xx[48:56]
    acc = acc + xx[56:64]
    t1 = acc[0:4] + acc[4:8]
    t2 = t1[0:2] + t1[2:4]
    x_sq = t2[0:1] + t2[1:2]

    c = c_ref[...]
    c_sq = jnp.sum(c * c, axis=1, keepdims=True)

    cb = c.astype(jnp.bfloat16)
    xbT = xT.astype(jnp.bfloat16)
    m = lax.dot_general(cb, xbT, (((1,), (0,)), ((), ())),
                        preferred_element_type=jnp.float32)

    d2 = (x_sq + c_sq) - 2.0 * m
    q = jnp.maximum(d2, 0.0)
    s = jnp.sqrt(q)

    vmin = jnp.min(s, axis=0, keepdims=True)
    kio = lax.broadcasted_iota(jnp.int32, (NUM_E, BLK), 0)
    idxs = jnp.where(s == vmin, kio, jnp.int32(NUM_E))
    idx = jnp.min(idxs, axis=0)
    idx_ref[...] = idx.reshape(1, 1, BLK)

    part = jnp.sum(vmin * vmin).reshape(1, 1)

    @pl.when(pl.program_id(0) == 0)
    def _():
        loss_ref[...] = jnp.zeros((1, 1), jnp.float32)

    loss_ref[...] += part


def _dist_argmin(x2, codebook):
    return pl.pallas_call(
        _dist_argmin_kernel,
        grid=(GRID,),
        in_specs=[
            pl.BlockSpec((BLK, DIM), lambda g: (g, 0)),
            pl.BlockSpec((NUM_E, DIM), lambda g: (0, 0)),
        ],
        out_specs=[
            pl.BlockSpec((1, 1, BLK), lambda g: (g, 0, 0)),
            pl.BlockSpec((1, 1), lambda g: (0, 0)),
        ],
        out_shape=[
            jax.ShapeDtypeStruct((GRID, 1, BLK), jnp.int32),
            jax.ShapeDtypeStruct((1, 1), jnp.float32),
        ],
    )(x2, codebook)


def _make_sc_gather():
    info = plsc.get_sparse_core_info()
    nc, ns = 1, info.num_subcores
    nw = nc * ns
    b_per_w = N_ROWS // nw
    nch = b_per_w // 72
    mesh = plsc.VectorSubcoreMesh(core_axis_name="c", subcore_axis_name="s",
                                  num_cores=1)

    @functools.partial(
        pl.kernel,
        mesh=mesh,
        compiler_params=pltpu.CompilerParams(use_tc_tiling_on_sc=False),
        out_type=jax.ShapeDtypeStruct((N_ROWS, DIM), jnp.float32),
        scratch_types=[
            pltpu.VMEM((4, 72), jnp.int32),
            pltpu.VMEM((b_per_w, DIM), jnp.float32),
            pltpu.SemaphoreType.DMA,
        ],
    )
    def sc_gather(idx_hbm, table_hbm, out_hbm, idx_v, rows_v, sem):
        wid = lax.axis_index("s")
        base = wid * b_per_w
        pltpu.sync_copy(idx_hbm.at[pl.ds(nch * wid, nch)], idx_v)
        cps = [pltpu.async_copy(table_hbm.at[idx_v.at[j]],
                                rows_v.at[pl.ds(j * 72, 72)], sem)
               for j in range(nch)]
        for cp in cps:
            cp.wait()
        pltpu.sync_copy(rows_v, out_hbm.at[pl.ds(base, b_per_w)])

    return sc_gather


def kernel(inputs, codebook):
    x2 = inputs.reshape(N_ROWS, DIM)
    idx3, loss_acc = _dist_argmin(x2, codebook)
    idx = idx3.reshape(N_ROWS)
    loss = loss_acc[0, 0] * _LOSS_SCALE
    q_st = _make_sc_gather()(idx.reshape(N_ROWS // 72, 72),
                             codebook).reshape(inputs.shape)
    return (q_st, loss, idx.reshape(N_ROWS, 1))

# --- scband reference (transcript-rebuilt; emitter-appended) ---
"""Pipeline reference for scband-vector-quantizer-9062380995253 (READ-ONLY COPY).

The authoritative reference and input builder live on the scoring server;
editing this copy changes nothing except your own understanding.
"""

import jax, jax.numpy as jnp
import numpy as np

NUM_EMBEDDINGS = 1024
EMBEDDING_DIM = 64
COMMITMENT_COST = 0.25

def setup_inputs(seed: int = 0) -> dict:
    key = jax.random.key(seed)
    k1, k2 = jax.random.split(key)
    inputs = jax.random.normal(k1, (8, 576, 64), dtype=jnp.float32)
    codebook = jax.random.uniform(k2, (NUM_EMBEDDINGS, EMBEDDING_DIM), dtype=jnp.float32,
                                  minval=-1.0 / NUM_EMBEDDINGS, maxval=1.0 / NUM_EMBEDDINGS)
    return {"inputs": inputs, "codebook": codebook}

def reference(inputs, codebook):
    d = codebook.shape[1]
    x = inputs.reshape(-1, d)  # [N, d]
    # Euclidean cdist via expansion (same math as torch.cdist):
    # ||x - c||^2 = ||x||^2 + ||c||^2 - 2 x.c
    x_sq = jnp.sum(x * x, axis=1, keepdims=True)           # [N, 1]
    c_sq = jnp.sum(codebook * codebook, axis=1)[None, :]   # [1, K]
    d2 = x_sq + c_sq - 2.0 * (x @ codebook.T)              # [N, K]
    distances = jnp.sqrt(jnp.maximum(d2, 0.0))[:, None, :] # [N, 1, K] (matches cdist of [N,1,d] x [1,K,d])
    encoding_indices = jnp.argmin(distances, axis=-1)      # [N, 1]
    quantized = jnp.take(codebook, encoding_indices.reshape(-1), axis=0).reshape(inputs.shape)
    e_latent_loss = jnp.mean((jax.lax.stop_gradient(quantized) - inputs) ** 2)
    q_latent_loss = jnp.mean((quantized - jax.lax.stop_gradient(inputs)) ** 2)
    loss = q_latent_loss + COMMITMENT_COST * e_latent_loss
    quantized_st = inputs + jax.lax.stop_gradient(quantized - inputs)
    return (quantized_st, loss, encoding_indices)

if __name__ == "__main__":
    import jax
    _d = setup_inputs()
    print(jax.jit(kernel)(*tuple(_d.values())))

</pallas_src>

<mosaic_0001>
#map = affine_map<(d0, d1) -> (0, 0)>
module attributes {stable_mosaic.version = 14 : i64} {
  func.func @sc_gather(%arg0: i32, %arg1: i32, %arg2: memref<64x72xi32, #tpu.memory_space<hbm>>, %arg3: memref<1024x64xf32, #tpu.memory_space<hbm>>, %arg4: memref<4608x64xf32, #tpu.memory_space<hbm>>, %arg5: memref<4x72xi32, #tpu.memory_space<vmem>>, %arg6: memref<288x64xf32, #tpu.memory_space<vmem>>, %arg7: memref<!tpu.dma_semaphore, #tpu.memory_space<semaphore_mem>>) attributes {dimension_semantics = [#tpu.dimension_semantics<core_parallel>, #tpu.dimension_semantics<subcore_parallel>], iteration_bounds = array<i64: 1, 16>, scalar_prefetch = 0 : i64, scratch_operands = 3 : i64, tpu.core_type = #tpu.core_type<sc_vector_subcore>, window_params = [{transform_indices = #map}, {transform_indices = #map}, {transform_indices = #map}]} {
    %mul3A = arith.constant 288 : i32
    %mul3A_0 = arith.muli %arg1, %mul3A : i32
    %mul3A_1 = arith.constant 4 : i32
    %mul3A_2 = arith.muli %mul3A_1, %arg1 : i32
    "tpu.region"() ({
      %run_scoped3A = tpu.sem_alloc : memref<!tpu.dma_semaphore, #tpu.memory_space<semaphore_mem>>
      %dma_start3A_81 = arith.constant 0 : i32
      %dma_start3A_82 = tpu.memref_slice %arg2[%mul3A_2, %dma_start3A_81] : memref<64x72xi32, #tpu.memory_space<hbm>> -> memref<4x72xi32, #tpu.memory_space<hbm>>
      %dma_start3A_83 = arith.constant 0 : i32
      %dma_start3A_84 = tpu.memref_slice %arg2[%mul3A_2, %dma_start3A_83] : memref<64x72xi32, #tpu.memory_space<hbm>> -> memref<4x72xi32, #tpu.memory_space<hbm>>
      tpu.enqueue_dma source(%dma_start3A_84 : memref<4x72xi32, #tpu.memory_space<hbm>>) target(%arg5 : memref<4x72xi32, #tpu.memory_space<vmem>>) target_semaphore(%run_scoped3A : memref<!tpu.dma_semaphore, #tpu.memory_space<semaphore_mem>>)
      %dma_wait3A_85 = arith.constant 0 : i32
      %dma_wait3A_86 = tpu.memref_slice %arg2[%mul3A_2, %dma_wait3A_85] : memref<64x72xi32, #tpu.memory_space<hbm>> -> memref<4x72xi32, #tpu.memory_space<hbm>>
      %dma_wait3A_87 = arith.constant 0 : i32
      %dma_wait3A_88 = tpu.memref_slice %arg2[%mul3A_2, %dma_wait3A_87] : memref<64x72xi32, #tpu.memory_space<hbm>> -> memref<4x72xi32, #tpu.memory_space<hbm>>
      tpu.wait_dma2 semaphore(%run_scoped3A : memref<!tpu.dma_semaphore, #tpu.memory_space<semaphore_mem>>) src(%dma_wait3A_88 : memref<4x72xi32, #tpu.memory_space<hbm>>) dst(%arg5 : memref<4x72xi32, #tpu.memory_space<vmem>>)
      tpu.yield
    }) : () -> ()
    %dma_start3A = arith.constant 0 : i32
    %dma_start3A_3 = arith.constant 0 : i32
    %dma_start3A_4 = arith.constant 0 : i32
    %dma_start3A_5 = tpu.memref_slice %arg6[%dma_start3A_3, %dma_start3A_4] : memref<288x64xf32, #tpu.memory_space<vmem>> -> memref<72x64xf32, #tpu.memory_space<vmem>>
    %dma_start3A_6 = arith.constant 0 : i32
    %dma_start3A_7 = tpu.memref_slice %arg5[%dma_start3A, %dma_start3A_6] : memref<4x72xi32, #tpu.memory_space<vmem>> -> memref<1x72xi32, #tpu.memory_space<vmem>>
    %dma_start3A_8 = tpu.memref_squeeze %dma_start3A_7 : memref<1x72xi32, #tpu.memory_space<vmem>> -> memref<72xi32, #tpu.memory_space<vmem>>
    %dma_start3A_9 = arith.constant 0 : i32
    %dma_start3A_10 = arith.constant 0 : i32
    %dma_start3A_11 = tpu.memref_slice %arg3[%dma_start3A_9, %dma_start3A_10] : memref<1024x64xf32, #tpu.memory_space<hbm>> -> memref<1024x64xf32, #tpu.memory_space<hbm>>
    tpu.enqueue_indirect_dma source(%dma_start3A_11 : memref<1024x64xf32, #tpu.memory_space<hbm>>) target(%dma_start3A_5 : memref<72x64xf32, #tpu.memory_space<vmem>>) offsets(%dma_start3A_8 : memref<72xi32, #tpu.memory_space<vmem>>) semaphore(%arg7 : memref<!tpu.dma_semaphore, #tpu.memory_space<semaphore_mem>>)
    %dma_start3A_12 = arith.constant 1 : i32
    %dma_start3A_13 = arith.constant 72 : i32
    %dma_start3A_14 = arith.constant 0 : i32
    %dma_start3A_15 = tpu.memref_slice %arg6[%dma_start3A_13, %dma_start3A_14] : memref<288x64xf32, #tpu.memory_space<vmem>> -> memref<72x64xf32, #tpu.memory_space<vmem>>
    %dma_start3A_16 = arith.constant 0 : i32
    %dma_start3A_17 = tpu.memref_slice %arg5[%dma_start3A_12, %dma_start3A_16] : memref<4x72xi32, #tpu.memory_space<vmem>> -> memref<1x72xi32, #tpu.memory_space<vmem>>
    %dma_start3A_18 = tpu.memref_squeeze %dma_start3A_17 : memref<1x72xi32, #tpu.memory_space<vmem>> -> memref<72xi32, #tpu.memory_space<vmem>>
    %dma_start3A_19 = arith.constant 0 : i32
    %dma_start3A_20 = arith.constant 0 : i32
    %dma_start3A_21 = tpu.memref_slice %arg3[%dma_start3A_19, %dma_start3A_20] : memref<1024x64xf32, #tpu.memory_space<hbm>> -> memref<1024x64xf32, #tpu.memory_space<hbm>>
    tpu.enqueue_indirect_dma source(%dma_start3A_21 : memref<1024x64xf32, #tpu.memory_space<hbm>>) target(%dma_start3A_15 : memref<72x64xf32, #tpu.memory_space<vmem>>) offsets(%dma_start3A_18 : memref<72xi32, #tpu.memory_space<vmem>>) semaphore(%arg7 : memref<!tpu.dma_semaphore, #tpu.memory_space<semaphore_mem>>)
    %dma_start3A_22 = arith.constant 2 : i32
    %dma_start3A_23 = arith.constant 144 : i32
    %dma_start3A_24 = arith.constant 0 : i32
    %dma_start3A_25 = tpu.memref_slice %arg6[%dma_start3A_23, %dma_start3A_24] : memref<288x64xf32, #tpu.memory_space<vmem>> -> memref<72x64xf32, #tpu.memory_space<vmem>>
    %dma_start3A_26 = arith.constant 0 : i32
    %dma_start3A_27 = tpu.memref_slice %arg5[%dma_start3A_22, %dma_start3A_26] : memref<4x72xi32, #tpu.memory_space<vmem>> -> memref<1x72xi32, #tpu.memory_space<vmem>>
    %dma_start3A_28 = tpu.memref_squeeze %dma_start3A_27 : memref<1x72xi32, #tpu.memory_space<vmem>> -> memref<72xi32, #tpu.memory_space<vmem>>
    %dma_start3A_29 = arith.constant 0 : i32
    %dma_start3A_30 = arith.constant 0 : i32
    %dma_start3A_31 = tpu.memref_slice %arg3[%dma_start3A_29, %dma_start3A_30] : memref<1024x64xf32, #tpu.memory_space<hbm>> -> memref<1024x64xf32, #tpu.memory_space<hbm>>
    tpu.enqueue_indirect_dma source(%dma_start3A_31 : memref<1024x64xf32, #tpu.memory_space<hbm>>) target(%dma_start3A_25 : memref<72x64xf32, #tpu.memory_space<vmem>>) offsets(%dma_start3A_28 : memref<72xi32, #tpu.memory_space<vmem>>) semaphore(%arg7 : memref<!tpu.dma_semaphore, #tpu.memory_space<semaphore_mem>>)
    %dma_start3A_32 = arith.constant 3 : i32
    %dma_start3A_33 = arith.constant 216 : i32
    %dma_start3A_34 = arith.constant 0 : i32
    %dma_start3A_35 = tpu.memref_slice %arg6[%dma_start3A_33, %dma_start3A_34] : memref<288x64xf32, #tpu.memory_space<vmem>> -> memref<72x64xf32, #tpu.memory_space<vmem>>
    %dma_start3A_36 = arith.constant 0 : i32
    %dma_start3A_37 = tpu.memref_slice %arg5[%dma_start3A_32, %dma_start3A_36] : memref<4x72xi32, #tpu.memory_space<vmem>> -> memref<1x72xi32, #tpu.memory_space<vmem>>
    %dma_start3A_38 = tpu.memref_squeeze %dma_start3A_37 : memref<1x72xi32, #tpu.memory_space<vmem>> -> memref<72xi32, #tpu.memory_space<vmem>>
    %dma_start3A_39 = arith.constant 0 : i32
    %dma_start3A_40 = arith.constant 0 : i32
    %dma_start3A_41 = tpu.memref_slice %arg3[%dma_start3A_39, %dma_start3A_40] : memref<1024x64xf32, #tpu.memory_space<hbm>> -> memref<1024x64xf32, #tpu.memory_space<hbm>>
    tpu.enqueue_indirect_dma source(%dma_start3A_41 : memref<1024x64xf32, #tpu.memory_space<hbm>>) target(%dma_start3A_35 : memref<72x64xf32, #tpu.memory_space<vmem>>) offsets(%dma_start3A_38 : memref<72xi32, #tpu.memory_space<vmem>>) semaphore(%arg7 : memref<!tpu.dma_semaphore, #tpu.memory_space<semaphore_mem>>)
    %dma_wait3A = arith.constant 0 : i32
    %dma_wait3A_42 = arith.constant 0 : i32
    %dma_wait3A_43 = arith.constant 0 : i32
    %dma_wait3A_44 = tpu.memref_slice %arg6[%dma_wait3A_42, %dma_wait3A_43] : memref<288x64xf32, #tpu.memory_space<vmem>> -> memref<72x64xf32, #tpu.memory_space<vmem>>
    %dma_wait3A_45 = arith.constant 0 : i32
    %dma_wait3A_46 = tpu.memref_slice %arg5[%dma_wait3A, %dma_wait3A_45] : memref<4x72xi32, #tpu.memory_space<vmem>> -> memref<1x72xi32, #tpu.memory_space<vmem>>
    %dma_wait3A_47 = tpu.memref_squeeze %dma_wait3A_46 : memref<1x72xi32, #tpu.memory_space<vmem>> -> memref<72xi32, #tpu.memory_space<vmem>>
    %dma_wait3A_48 = arith.constant 0 : i32
    %dma_wait3A_49 = arith.constant 0 : i32
    %dma_wait3A_50 = tpu.memref_slice %arg3[%dma_wait3A_48, %dma_wait3A_49] : memref<1024x64xf32, #tpu.memory_space<hbm>> -> memref<1024x64xf32, #tpu.memory_space<hbm>>
    tpu.wait_indirect_dma semaphore(%arg7 : memref<!tpu.dma_semaphore, #tpu.memory_space<semaphore_mem>>) src(%dma_wait3A_50 : memref<1024x64xf32, #tpu.memory_space<hbm>>) dst(%dma_wait3A_44 : memref<72x64xf32, #tpu.memory_space<vmem>>)
    %dma_wait3A_51 = arith.constant 1 : i32
    %dma_wait3A_52 = arith.constant 72 : i32
    %dma_wait3A_53 = arith.constant 0 : i32
    %dma_wait3A_54 = tpu.memref_slice %arg6[%dma_wait3A_52, %dma_wait3A_53] : memref<288x64xf32, #tpu.memory_space<vmem>> -> memref<72x64xf32, #tpu.memory_space<vmem>>
    %dma_wait3A_55 = arith.constant 0 : i32
    %dma_wait3A_56 = tpu.memref_slice %arg5[%dma_wait3A_51, %dma_wait3A_55] : memref<4x72xi32, #tpu.memory_space<vmem>> -> memref<1x72xi32, #tpu.memory_space<vmem>>
    %dma_wait3A_57 = tpu.memref_squeeze %dma_wait3A_56 : memref<1x72xi32, #tpu.memory_space<vmem>> -> memref<72xi32, #tpu.memory_space<vmem>>
    %dma_wait3A_58 = arith.constant 0 : i32
    %dma_wait3A_59 = arith.constant 0 : i32
    %dma_wait3A_60 = tpu.memref_slice %arg3[%dma_wait3A_58, %dma_wait3A_59] : memref<1024x64xf32, #tpu.memory_space<hbm>> -> memref<1024x64xf32, #tpu.memory_space<hbm>>
    tpu.wait_indirect_dma semaphore(%arg7 : memref<!tpu.dma_semaphore, #tpu.memory_space<semaphore_mem>>) src(%dma_wait3A_60 : memref<1024x64xf32, #tpu.memory_space<hbm>>) dst(%dma_wait3A_54 : memref<72x64xf32, #tpu.memory_space<vmem>>)
    %dma_wait3A_61 = arith.constant 2 : i32
    %dma_wait3A_62 = arith.constant 144 : i32
    %dma_wait3A_63 = arith.constant 0 : i32
    %dma_wait3A_64 = tpu.memref_slice %arg6[%dma_wait3A_62, %dma_wait3A_63] : memref<288x64xf32, #tpu.memory_space<vmem>> -> memref<72x64xf32, #tpu.memory_space<vmem>>
    %dma_wait3A_65 = arith.constant 0 : i32
    %dma_wait3A_66 = tpu.memref_slice %arg5[%dma_wait3A_61, %dma_wait3A_65] : memref<4x72xi32, #tpu.memory_space<vmem>> -> memref<1x72xi32, #tpu.memory_space<vmem>>
    %dma_wait3A_67 = tpu.memref_squeeze %dma_wait3A_66 : memref<1x72xi32, #tpu.memory_space<vmem>> -> memref<72xi32, #tpu.memory_space<vmem>>
    %dma_wait3A_68 = arith.constant 0 : i32
    %dma_wait3A_69 = arith.constant 0 : i32
    %dma_wait3A_70 = tpu.memref_slice %arg3[%dma_wait3A_68, %dma_wait3A_69] : memref<1024x64xf32, #tpu.memory_space<hbm>> -> memref<1024x64xf32, #tpu.memory_space<hbm>>
    tpu.wait_indirect_dma semaphore(%arg7 : memref<!tpu.dma_semaphore, #tpu.memory_space<semaphore_mem>>) src(%dma_wait3A_70 : memref<1024x64xf32, #tpu.memory_space<hbm>>) dst(%dma_wait3A_64 : memref<72x64xf32, #tpu.memory_space<vmem>>)
    %dma_wait3A_71 = arith.constant 3 : i32
    %dma_wait3A_72 = arith.constant 216 : i32
    %dma_wait3A_73 = arith.constant 0 : i32
    %dma_wait3A_74 = tpu.memref_slice %arg6[%dma_wait3A_72, %dma_wait3A_73] : memref<288x64xf32, #tpu.memory_space<vmem>> -> memref<72x64xf32, #tpu.memory_space<vmem>>
    %dma_wait3A_75 = arith.constant 0 : i32
    %dma_wait3A_76 = tpu.memref_slice %arg5[%dma_wait3A_71, %dma_wait3A_75] : memref<4x72xi32, #tpu.memory_space<vmem>> -> memref<1x72xi32, #tpu.memory_space<vmem>>
    %dma_wait3A_77 = tpu.memref_squeeze %dma_wait3A_76 : memref<1x72xi32, #tpu.memory_space<vmem>> -> memref<72xi32, #tpu.memory_space<vmem>>
    %dma_wait3A_78 = arith.constant 0 : i32
    %dma_wait3A_79 = arith.constant 0 : i32
    %dma_wait3A_80 = tpu.memref_slice %arg3[%dma_wait3A_78, %dma_wait3A_79] : memref<1024x64xf32, #tpu.memory_space<hbm>> -> memref<1024x64xf32, #tpu.memory_space<hbm>>
    tpu.wait_indirect_dma semaphore(%arg7 : memref<!tpu.dma_semaphore, #tpu.memory_space<semaphore_mem>>) src(%dma_wait3A_80 : memref<1024x64xf32, #tpu.memory_space<hbm>>) dst(%dma_wait3A_74 : memref<72x64xf32, #tpu.memory_space<vmem>>)
    "tpu.region"() ({
      %run_scoped3A = tpu.sem_alloc : memref<!tpu.dma_semaphore, #tpu.memory_space<semaphore_mem>>
      %dma_start3A_81 = arith.constant 0 : i32
      %dma_start3A_82 = tpu.memref_slice %arg4[%mul3A_0, %dma_start3A_81] : memref<4608x64xf32, #tpu.memory_space<hbm>> -> memref<288x64xf32, #tpu.memory_space<hbm>>
      %dma_start3A_83 = arith.constant 0 : i32
      %dma_start3A_84 = tpu.memref_slice %arg4[%mul3A_0, %dma_start3A_83] : memref<4608x64xf32, #tpu.memory_space<hbm>> -> memref<288x64xf32, #tpu.memory_space<hbm>>
      tpu.enqueue_dma source(%arg6 : memref<288x64xf32, #tpu.memory_space<vmem>>) target(%dma_start3A_84 : memref<288x64xf32, #tpu.memory_space<hbm>>) target_semaphore(%run_scoped3A : memref<!tpu.dma_semaphore, #tpu.memory_space<semaphore_mem>>)
      %dma_wait3A_85 = arith.constant 0 : i32
      %dma_wait3A_86 = tpu.memref_slice %arg4[%mul3A_0, %dma_wait3A_85] : memref<4608x64xf32, #tpu.memory_space<hbm>> -> memref<288x64xf32, #tpu.memory_space<hbm>>
      %dma_wait3A_87 = arith.constant 0 : i32
      %dma_wait3A_88 = tpu.memref_slice %arg4[%mul3A_0, %dma_wait3A_87] : memref<4608x64xf32, #tpu.memory_space<hbm>> -> memref<288x64xf32, #tpu.memory_space<hbm>>
      tpu.wait_dma2 semaphore(%run_scoped3A : memref<!tpu.dma_semaphore, #tpu.memory_space<semaphore_mem>>) src(%arg6 : memref<288x64xf32, #tpu.memory_space<vmem>>) dst(%dma_wait3A_88 : memref<288x64xf32, #tpu.memory_space<hbm>>)
      tpu.yield
    }) : () -> ()
    return
  }
}

module attributes {stable_mosaic.version = 14 : i64} {
  func.func @_dist_argmin_kernel(%arg0: i32, %arg1: memref<2304x64xf32, #tpu.memory_space<vmem>>, %arg2: memref<1024x64xf32, #tpu.memory_space<vmem>>, %arg3: memref<1x1x2304xi32, #tpu.memory_space<vmem>>, %arg4: memref<1x1xf32, #tpu.memory_space<vmem>>) attributes {dimension_semantics = [#tpu.dimension_semantics<arbitrary>], iteration_bounds = array<i64: 2>, scalar_prefetch = 0 : i64, scratch_operands = 0 : i64, tpu.core_type = #tpu.core_type<tc>, window_params = [{transform_indices = @transform_0, window_bounds = array<i64: 2304, 64>}, {pipeline_mode = #tpu.pipeline_mode<synchronous>, transform_indices = @transform_1, window_bounds = array<i64: 1024, 64>}, {transform_indices = @transform_2, window_bounds = array<i64: 1, 1, 2304>}, {pipeline_mode = #tpu.pipeline_mode<synchronous>, transform_indices = @transform_3, window_bounds = array<i64: 1, 1>}]} {
    %get3A = arith.constant 0 : index
    %get3A_0 = arith.constant 0 : index
    %get3A_1 = vector.load %arg1[%get3A, %get3A_0] : memref<2304x64xf32, #tpu.memory_space<vmem>>, vector<2304x64xf32>
    %transpose3A = tpu.transpose %get3A_1, [1, 0] : vector<2304x64xf32> -> vector<64x2304xf32>
    %mul3A = arith.mulf %transpose3A, %transpose3A : vector<64x2304xf32>
    %slice3A = vector.extract_strided_slice %mul3A {offsets = [0, 0], sizes = [8, 2304], strides = [1, 1]} : vector<64x2304xf32> to vector<8x2304xf32>
    %slice3A_2 = vector.extract_strided_slice %mul3A {offsets = [8, 0], sizes = [8, 2304], strides = [1, 1]} : vector<64x2304xf32> to vector<8x2304xf32>
    %add3A = arith.addf %slice3A, %slice3A_2 : vector<8x2304xf32>
    %slice3A_3 = vector.extract_strided_slice %mul3A {offsets = [16, 0], sizes = [8, 2304], strides = [1, 1]} : vector<64x2304xf32> to vector<8x2304xf32>
    %add3A_4 = arith.addf %add3A, %slice3A_3 : vector<8x2304xf32>
    %slice3A_5 = vector.extract_strided_slice %mul3A {offsets = [24, 0], sizes = [8, 2304], strides = [1, 1]} : vector<64x2304xf32> to vector<8x2304xf32>
    %add3A_6 = arith.addf %add3A_4, %slice3A_5 : vector<8x2304xf32>
    %slice3A_7 = vector.extract_strided_slice %mul3A {offsets = [32, 0], sizes = [8, 2304], strides = [1, 1]} : vector<64x2304xf32> to vector<8x2304xf32>
    %add3A_8 = arith.addf %add3A_6, %slice3A_7 : vector<8x2304xf32>
    %slice3A_9 = vector.extract_strided_slice %mul3A {offsets = [40, 0], sizes = [8, 2304], strides = [1, 1]} : vector<64x2304xf32> to vector<8x2304xf32>
    %add3A_10 = arith.addf %add3A_8, %slice3A_9 : vector<8x2304xf32>
    %slice3A_11 = vector.extract_strided_slice %mul3A {offsets = [48, 0], sizes = [8, 2304], strides = [1, 1]} : vector<64x2304xf32> to vector<8x2304xf32>
    %add3A_12 = arith.addf %add3A_10, %slice3A_11 : vector<8x2304xf32>
    %slice3A_13 = vector.extract_strided_slice %mul3A {offsets = [56, 0], sizes = [8, 2304], strides = [1, 1]} : vector<64x2304xf32> to vector<8x2304xf32>
    %add3A_14 = arith.addf %add3A_12, %slice3A_13 : vector<8x2304xf32>
    %slice3A_15 = vector.extract_strided_slice %add3A_14 {offsets = [0, 0], sizes = [4, 2304], strides = [1, 1]} : vector<8x2304xf32> to vector<4x2304xf32>
    %slice3A_16 = vector.extract_strided_slice %add3A_14 {offsets = [4, 0], sizes = [4, 2304], strides = [1, 1]} : vector<8x2304xf32> to vector<4x2304xf32>
    %add3A_17 = arith.addf %slice3A_15, %slice3A_16 : vector<4x2304xf32>
    %slice3A_18 = vector.extract_strided_slice %add3A_17 {offsets = [0, 0], sizes = [2, 2304], strides = [1, 1]} : vector<4x2304xf32> to vector<2x2304xf32>
    %slice3A_19 = vector.extract_strided_slice %add3A_17 {offsets = [2, 0], sizes = [2, 2304], strides = [1, 1]} : vector<4x2304xf32> to vector<2x2304xf32>
    %add3A_20 = arith.addf %slice3A_18, %slice3A_19 : vector<2x2304xf32>
    %slice3A_21 = vector.extract_strided_slice %add3A_20 {offsets = [0, 0], sizes = [1, 2304], strides = [1, 1]} : vector<2x2304xf32> to vector<1x2304xf32>
    %slice3A_22 = vector.extract_strided_slice %add3A_20 {offsets = [1, 0], sizes = [1, 2304], strides = [1, 1]} : vector<2x2304xf32> to vector<1x2304xf32>
    %add3A_23 = arith.addf %slice3A_21, %slice3A_22 : vector<1x2304xf32>
    %get3A_24 = arith.constant 0 : index
    %get3A_25 = arith.constant 0 : index
    %get3A_26 = vector.load %arg2[%get3A_24, %get3A_25] : memref<1024x64xf32, #tpu.memory_space<vmem>>, vector<1024x64xf32>
    %mul3A_27 = arith.mulf %get3A_26, %get3A_26 : vector<1024x64xf32>
    %reduce_sum3A = arith.constant dense<0.000000e+00> : vector<1024xf32>
    %reduce_sum3A_28 = vector.multi_reduction <add>, %mul3A_27, %reduce_sum3A [1] : vector<1024x64xf32> to vector<1024xf32>
    %broadcast_in_dim3A = vector.shape_cast %reduce_sum3A_28 : vector<1024xf32> to vector<1024x1xf32>
    %convert_element_type3A = arith.truncf %get3A_26 : vector<1024x64xf32> to vector<1024x64xbf16>
    %convert_element_type3A_29 = arith.truncf %transpose3A : vector<64x2304xf32> to vector<64x2304xbf16>
    %dot_general3A = arith.constant dense<0.000000e+00> : vector<1024x2304xf32>
    %dot_general3A_30 = tpu.matmul %convert_element_type3A, %convert_element_type3A_29, %dot_general3A {dimension_numbers = #tpu.dot_dimension_numbers<[1], [0], [0], [1], [0, 0, 1, 1], [], []>, transpose_lhs_hint = false} : vector<1024x64xbf16>, vector<64x2304xbf16>, vector<1024x2304xf32> -> vector<1024x2304xf32>
    %add3A_31 = vector.broadcast %add3A_23 : vector<1x2304xf32> to vector<1024x2304xf32>
    %add3A_32 = vector.broadcast %broadcast_in_dim3A : vector<1024x1xf32> to vector<1024x2304xf32>
    %add3A_33 = arith.addf %add3A_31, %add3A_32 : vector<1024x2304xf32>
    %mul3A_34 = arith.constant 2.000000e+00 : f32
    %mul3A_35 = vector.broadcast %mul3A_34 : f32 to vector<1024x2304xf32>
    %mul3A_36 = arith.mulf %mul3A_35, %dot_general3A_30 : vector<1024x2304xf32>
    %sub3A = arith.subf %add3A_33, %mul3A_36 : vector<1024x2304xf32>
    %max3A = arith.constant 0.000000e+00 : f32
    %max3A_37 = vector.broadcast %max3A : f32 to vector<1024x2304xf32>
    %max3A_38 = arith.maximumf %sub3A, %max3A_37 : vector<1024x2304xf32>
    %sqrt3A = math.sqrt %max3A_38 : vector<1024x2304xf32>
    %reduce_min3A = arith.constant dense<0x7F800000> : vector<2304xf32>
    %reduce_min3A_39 = vector.multi_reduction <minimumf>, %sqrt3A, %reduce_min3A [0] : vector<1024x2304xf32> to vector<2304xf32>
    %broadcast_in_dim3A_40 = vector.shape_cast %reduce_min3A_39 : vector<2304xf32> to vector<1x2304xf32>
    %iota3A = tpu.iota {dimensions = array<i32: 0>} : vector<1024x2304xi32>
    %eq3A = vector.broadcast %broadcast_in_dim3A_40 : vector<1x2304xf32> to vector<1024x2304xf32>
    %eq3A_41 = arith.cmpf oeq, %sqrt3A, %eq3A : vector<1024x2304xf32>
    %jit3A = arith.constant 1024 : i32
    %broadcast_in_dim3A_42 = vector.broadcast %jit3A : i32 to vector<1024x2304xi32>
    %select_n3A = arith.select %eq3A_41, %iota3A, %broadcast_in_dim3A_42 : vector<1024x2304xi1>, vector<1024x2304xi32>
    %reduce_min3A_43 = arith.constant dense<2147483647> : vector<2304xi32>
    %reduce_min3A_44 = vector.multi_reduction <minsi>, %select_n3A, %reduce_min3A_43 [0] : vector<1024x2304xi32> to vector<2304xi32>
    %reshape3A = vector.shape_cast %reduce_min3A_44 : vector<2304xi32> to vector<1x1x2304xi32>
    %swap3A = arith.constant 0 : index
    %swap3A_45 = arith.constant 0 : index
    %swap3A_46 = arith.constant 0 : index
    %swap3A_47 = vector.load %arg3[%swap3A, %swap3A_45, %swap3A_46] : memref<1x1x2304xi32, #tpu.memory_space<vmem>>, vector<1x1x2304xi32>
    tpu.vector_store %arg3[%swap3A, %swap3A_45, %swap3A_46], %reshape3A {strides = array<i32>} : memref<1x1x2304xi32, #tpu.memory_space<vmem>>, vector<1x1x2304xi32>,
    %mul3A_48 = arith.mulf %broadcast_in_dim3A_40, %broadcast_in_dim3A_40 : vector<1x2304xf32>
    %reduce_sum3A_49 = vector.shape_cast %mul3A_48 : vector<1x2304xf32> to vector<1x1x2304xf32>
    %reduce_sum3A_50 = arith.constant dense<0.000000e+00> : vector<1xf32>
    %reduce_sum3A_51 = vector.multi_reduction <add>, %reduce_sum3A_49, %reduce_sum3A_50 [1, 2] : vector<1x1x2304xf32> to vector<1xf32>
    %reduce_sum3A_52 = vector.shape_cast %reduce_sum3A_51 : vector<1xf32> to vector<1x1x1xf32>
    %reduce_sum3A_53 = vector.extract %reduce_sum3A_52[0, 0, 0] : f32 from vector<1x1x1xf32>
    %reshape3A_54 = vector.broadcast %reduce_sum3A_53 : f32 to vector<1x1xf32>
    %eq3A_55 = arith.constant 0 : i32
    %eq3A_56 = arith.cmpi eq, %arg0, %eq3A_55 : i32
    %convert_element_type3A_57 = arith.extui %eq3A_56 : i1 to i32
    %cond3A = arith.constant 0 : i32
    %cond3A_58 = arith.cmpi ne, %convert_element_type3A_57, %cond3A : i32
    scf.if %cond3A_58 {
      %broadcast_in_dim3A_66 = arith.constant 0.000000e+00 : f32
      %broadcast_in_dim3A_67 = vector.broadcast %broadcast_in_dim3A_66 : f32 to vector<1x1xf32>
      %swap3A_68 = arith.constant 0 : index
      %swap3A_69 = arith.constant 0 : index
      %swap3A_70 = vector.load %arg4[%swap3A_68, %swap3A_69] : memref<1x1xf32, #tpu.memory_space<vmem>>, vector<1x1xf32>
      tpu.vector_store %arg4[%swap3A_68, %swap3A_69], %broadcast_in_dim3A_67 {strides = array<i32>} : memref<1x1xf32, #tpu.memory_space<vmem>>, vector<1x1xf32>,
    } else {
    }
    %get3A_59 = arith.constant 0 : index
    %get3A_60 = arith.constant 0 : index
    %get3A_61 = vector.load %arg4[%get3A_59, %get3A_60] : memref<1x1xf32, #tpu.memory_space<vmem>>, vector<1x1xf32>
    %add3A_62 = arith.addf %get3A_61, %reshape3A_54 : vector<1x1xf32>
    %swap3A_63 = arith.constant 0 : index
    %swap3A_64 = arith.constant 0 : index
    %swap3A_65 = vector.load %arg4[%swap3A_63, %swap3A_64] : memref<1x1xf32, #tpu.memory_space<vmem>>, vector<1x1xf32>
    tpu.vector_store %arg4[%swap3A_63, %swap3A_64], %add3A_62 {strides = array<i32>} : memref<1x1xf32, #tpu.memory_space<vmem>>, vector<1x1xf32>,
    return
  }
  func.func @transform_0(%arg0: i32) -> (i32, i32) {
    %c0_i32 = arith.constant 0 : i32
    %c0_i32_0 = arith.constant 0 : i32
    return %arg0, %c0_i32 : i32, i32
  }
  func.func @transform_1(%arg0: i32) -> (i32, i32) {
    %c0_i32 = arith.constant 0 : i32
    %c0_i32_0 = arith.constant 0 : i32
    %c0_i32_1 = arith.constant 0 : i32
    return %c0_i32, %c0_i32_0 : i32, i32
  }
  func.func @transform_2(%arg0: i32) -> (i32, i32, i32) {
    %c0_i32 = arith.constant 0 : i32
    %c0_i32_0 = arith.constant 0 : i32
    %c0_i32_1 = arith.constant 0 : i32
    return %arg0, %c0_i32, %c0_i32_0 : i32, i32, i32
  }
  func.func @transform_3(%arg0: i32) -> (i32, i32) {
    %c0_i32 = arith.constant 0 : i32
    %c0_i32_0 = arith.constant 0 : i32
    %c0_i32_1 = arith.constant 0 : i32
    return %c0_i32, %c0_i32_0 : i32, i32
  }
}

</mosaic_0001>

<sc_bundles>
// kernel: kernel.4.cloned.1.call-start
scs
__scs_entry_jumppad:
0x0: {  	(pc) =	sbr.rel $0x88, $3  }
0x1: {  	(tag) =	ssettag $0x0;
	lr =	simm.s32 $0x1  }
0x2: {  	[smem:$0x3F9F] =	sst lr;
	_ =	strace $0xD0000000  }
0x3: {  	_ = 	snop  }
0x4: {  	_ = 	snop  }
0x5: {  	_ = 	snop  }
0x6: {  	_ = 	snop  }
0x7: {  	_ = 	snop  }
__scs_overlays_trampoline_lowered:
0x8: {  	[smem:$0x3FAE] =	sst s0  }
0x9: {  	[smem:$0x3FAF] =	sst s1  }
0xa: {  	[smem:$0x3FB0] =	sst s2  }
0xb: {  	[smem:$0x3FB1] =	sst s3  }
0xc: {  	[smem:$0x3FB2] =	sst s4  }
0xd: {  	[smem:$0x3FB3] =	sst s5  }
0xe: {  	[smem:$0x3FB4] =	sst s6  }
0xf: {  	[smem:$0x3FB5] =	sst s7  }
0x10: {  	[smem:$0x3FB6] =	sst s8  }
0x11: {  	[smem:$0x3FB7] =	sst s9;
	s0 =	simm.s32 @!p0 $0x0  }
0x12: {  	s1 =	sld [smem:$0x3F9D];
	s0 =	simm.s32 @p0 $0x1  }
0x13: {  	[smem:$0x3FB8] =	sst s0;
	s0 =	simm.s32 @!p1 $0x0  }
0x14: {  	s2 =	sld [smem:$0x3F9C];
	s0 =	simm.s32 @p1 $0x1  }
0x15: {  	[smem:$0x3FB9] =	sst s0;
	s0 =	simm.s32 @!p2 $0x0  }
0x16: {  	s3 =	sld [smem:$0x3FDB];
	s0 =	simm.s32 @p2 $0x1  }
0x17: {  	s4 =	simm.s32 $0x1BF5;
	[smem:$0x3FBB] =	sst s0  }
0x18: {  	s0 =	sld [smem:$0x3F9E];
	_ =	swait.ge [sflag:s4], $0x0  }
0x19: {  	s7 =	sld [smem:$0x3F9F]  }
0x1a: {  	s8 =	sadd.s32 $0xFFFFE003, lr  }
0x1b: {  	s9 =	sadd.s32 $0xFFFFFEF7, lr;
	s5 =	simm.s32 $0xFFFFFFFF;
	p2 =	slt.u32 s8, $0xFFFFF086  }
0x1c: {  	p1 =	slt.u32 s9, $0xF7A;
	s5 =	simm.s32 @!p2 $0x0  }
0x1d: {  	s5 =	simm.s32 @p1 $0x1;
	p0 =	seq.s32 s7, s2  }
0x1e: {  	s7 =	smul.u32 @!p0 $0xF7A, s2;
	p2 =	seq.s32 @!p0 s5, $0x0  }
0x1f: {  	s9 =	smul.u32 $0xF7A, s1;
	s8 =	simm.s32 @!p0 $0x1BF5;
	p2 =	por !p2, p0  }
0x20: {  	[sflag:s8] =	ssyncset.s32 @!p0 $0xFFFFF086;
	s6 =	sadd.s32 @!p0 s3, s7;
	s7 =	simm.s32 @!p0 $0x108  }
0x21: {  	s3 =	sadd.s32 s3, s9;
	s6 =	sadd.s32 @!p0 $0x88, s6;
	s7 =	simm.s32 @p2 $0x1082  }
0x22: {  	[simem:s7], [sflag:s8] =	dma.local @!p0 [hbm:s6], $0xF7A  }
0x23: {  	s9 =	sor.u32 $0xD0000000, s2;
	s6 =	simm.s32 $0x108;
	_ =	swait.ge @!p0 [sflag:s8], $0x0  }
0x24: {  	s3 =	sadd.s32 $0x88, s3;
	s6 =	simm.s32 @!p1 $0x1082;
	[sflag:s4] =	ssyncset.s32 $0xFFFFF086  }
0x25: {  	[simem:s6], [sflag:s4] =	dma.local [hbm:s3], $0xF7A  }
0x26: {  	[smem:$0x3F9F] =	sst s1;
	(tag) =	ssettag s2;
	_ =	strace s9  }
0x27: {  	s1 =	sld [smem:$0x3FAF]  }
0x28: {  	s2 =	sld [smem:$0x3FB0]  }
0x29: {  	s4 =	sld [smem:$0x3FB2]  }
0x2a: {  	p0 =	seq.s32 s5, $0x0;
	s5 =	sld [smem:$0x3FB3]  }
0x2b: {  	s6 =	sld [smem:$0x3FB4]  }
0x2c: {  	s7 =	sld [smem:$0x3FB5]  }
0x2d: {  	s3 =	simm.s32 $0x108;
	s8 =	sld [smem:$0x3FB6]  }
0x2e: {  	s3 =	simm.s32 @!p0 $0x1082;
	s9 =	sld [smem:$0x3FB7]  }
0x2f: {  	lr =	sadd.s32 s0, s3;
	s0 =	sld [smem:$0x3FAE]  }
0x30: {  	s3 =	sld [smem:$0x3FB1]  }
0x31: {  	[smem:$0x3FBA] =	sst s10  }
0x32: {  	s10 =	sld [smem:$0x3FB8];
	_ =	sdelay $0x3  }
0x33: {  	p0 =	seq.s32 s10, $0x1;
	s10 =	sld [smem:$0x3FBA];
	_ =	sdelay $0x3  }
0x34: {  	[smem:$0x3FBA] =	sst s10  }
0x35: {  	s10 =	sld [smem:$0x3FB9];
	_ =	sdelay $0x3  }
0x36: {  	p1 =	seq.s32 s10, $0x1;
	s10 =	sld [smem:$0x3FBA];
	_ =	sdelay $0x3  }
0x37: {  	[smem:$0x3FBA] =	sst s10  }
0x38: {  	s10 =	sld [smem:$0x3FBB]  }
0x39: {  	_ = 	snop;
	(pc) =	sbr.ind lr, $3  }
0x3a: {  	_ = 	snop  }
0x3b: {  	_ = 	snop  }
0x3c: {  	p2 =	seq.s32 s10, $0x1;
	s10 =	sld [smem:$0x3FBA]  }
0x3d: {  	_ =	shalt  }
0x3e: {  	_ =	shalt  }
0x3f: {  	_ =	shalt  }
0x40: {  	_ =	shalt  }
0x41: {  	_ =	shalt  }
0x42: {  	_ =	shalt  }
0x43: {  	_ =	shalt  }
0x44: {  	_ =	shalt  }
0x45: {  	_ =	shalt  }
0x46: {  	_ =	shalt  }
0x47: {  	_ =	shalt  }
0x48: {  	_ =	shalt  }
0x49: {  	_ =	shalt  }
0x4a: {  	_ =	shalt  }
0x4b: {  	_ =	shalt  }
0x4c: {  	_ =	shalt  }
0x4d: {  	_ =	shalt  }
0x4e: {  	_ =	shalt  }
0x4f: {  	_ =	shalt  }
0x50: {  	_ =	shalt  }
0x51: {  	_ =	shalt  }
0x52: {  	_ =	shalt  }
0x53: {  	_ =	shalt  }
0x54: {  	_ =	shalt  }
0x55: {  	_ =	shalt  }
0x56: {  	_ =	shalt  }
0x57: {  	_ =	shalt  }
0x58: {  	_ =	shalt  }
0x59: {  	_ =	shalt  }
0x5a: {  	_ =	shalt  }
0x5b: {  	_ =	shalt  }
0x5c: {  	_ =	shalt  }
0x5d: {  	_ =	shalt  }
0x5e: {  	_ =	shalt  }
0x5f: {  	_ =	shalt  }
0x60: {  	_ =	shalt  }
0x61: {  	_ =	shalt  }
0x62: {  	_ =	shalt  }
0x63: {  	_ =	shalt  }
0x64: {  	_ =	shalt  }
0x65: {  	_ =	shalt  }
0x66: {  	_ =	shalt  }
0x67: {  	_ =	shalt  }
0x68: {  	_ =	shalt  }
0x69: {  	_ =	shalt  }
0x6a: {  	_ =	shalt  }
0x6b: {  	_ =	shalt  }
0x6c: {  	_ =	shalt  }
0x6d: {  	_ =	shalt  }
0x6e: {  	_ =	shalt  }
0x6f: {  	_ =	shalt  }
0x70: {  	_ =	shalt  }
0x71: {  	_ =	shalt  }
0x72: {  	_ =	shalt  }
0x73: {  	_ =	shalt  }
0x74: {  	_ =	shalt  }
0x75: {  	_ =	shalt  }
0x76: {  	_ =	shalt  }
0x77: {  	_ =	shalt  }
0x78: {  	_ =	shalt  }
0x79: {  	_ =	shalt  }
0x7a: {  	_ =	shalt  }
0x7b: {  	_ =	shalt  }
0x7c: {  	_ =	shalt  }
0x7d: {  	_ =	shalt  }
0x7e: {  	_ =	shalt  }
0x7f: {  	_ =	shalt  }
0x80: {  	_ =	shalt  }
0x81: {  	_ =	shalt  }
0x82: {  	_ =	shalt  }
0x83: {  	_ =	shalt  }
0x84: {  	_ =	shalt  }
0x85: {  	_ =	shalt  }
0x86: {  	_ =	shalt  }
0x87: {  	_ =	shalt  }
.Lfunc_end0:
.L_simem_size_0:
called_computation_lowered:
.L_overlay_start_0:
0x88: {  	s0 =	sld [smem:$0x3FD9]  }
0x89: {  	s1 =	sld [smem:$0x3FFE];
	_ =	sdelay $0x3  }
0x8a: {  	s0 =	sadd.s32 s1, s0  }
0x8b: {  	[smem:$0x3FC6] =	sst s0  }
0x8c: {  	_ = 	snop  }
0x8d: {  	s0 =	sld [smem:$0x3FD0];
	_ =	sdelay $0x2  }
0x8e: {  	s13 =	simm.s32 $0xA;
	s2 =	simm.s32 $0x10  }
0x8f: {  	[smem:s2], [sflag:s13] =	dma.local [hbm:s0], $0x1  }
0x90: {  	_ =	swait.eq [sflag:s13], $0x1  }
0x91: {  	[sflag:s13] =	ssyncset.done $0x0  }
0x92: {  	[sflag:s13] =	ssyncadd.s32 $0xFFFFFFFF  }
0x93: {  	s14 =	sld [smem:$0x10];
	(tm) =	ssettm $0x1  }
0x94: {  	s15 =	sld [smem:$0x3FFB];
	_ =	sdelay $0x3  }
0x95: {  	_ =	strace s15  }
0x96: {  	s1 =	sld [smem:$0x3FFC];
	_ =	sdelay $0x3  }
0x97: {  	_ =	strace s1  }
0x98: {  	s1 =	sld [smem:$0x3FFD];
	_ =	sdelay $0x3  }
0x99: {  	_ =	strace s1  }
0x9a: {  	_ =	strace $0x8FFFFFFF  }
0x9b: {  	s16 =	sld [smem:$0x3FDB];
	_ =	sdelay $0x1  }
0x9c: {  	s17 =	simm.s32 $_scs_section_size  }
0x9d: {  	s3 =	simm.s32 $_size__tile_overlayer_lowered;
	s4 =	simm.s32 $_tile_overlayer_lowered  }
0x9e: {  	s20 =	simm.s32 $0x1BFF;
	s19 =	sshll.u32 s4, $0x1;
	s1 =	sadd.s32 s17, s16  }
0x9f: {  	s5 =	simm.s32 $0x0;
	s18 =	sshll.u32 s3, $0x1;
	s3 =	sadd.s32 s19, s1  }
0xa0: {  	[timem:s5], [sflag:s20] =	dma.local [hbm:s3], s18  }
0xa1: {  	_ =	swait.ge [sflag:s20], s18  }
0xa2: {  	s2 =	ssub.s32 $0x0, s18;
	[sflag:s20] =	ssyncset.done $0x0  }
0xa3: {  	[sflag:s20] =	ssyncadd.s32 s2;
	_ =	sdelay $0x1  }
0xa4: {  	s21 =	simm.s32 $0x1B8B  }
0xa5: {  	_ =	swait.ge [sflag:s21], $0x1  }
0xa6: {  	[sflag:s21] =	ssyncset.done $0x0  }
0xa7: {  	s23 =	simm.s32 $0x1B8E;
	s22 =	sld [smem:$0x3FFE];
	[sflag:s21] =	ssyncadd.s32 $0xFFFFFFFF  }
0xa8: {  	s24 =	simm.s32 $execute0_lowered;
	[smem:$0x3FD2] =	sst s23  }
0xa9: {  	s3 =	sshll.u32 s24, $0x1;
	_ =	strace $0x80000046;
	[dreg:$0x1] =	wrdreg $0xFFFFFFFF  }
0xaa: {  	s25 =	simm.s32 $_size_execute0_lowered;
	s1 =	sadd.s32 s1, s3;
	[dreg:$0x0] =	wrdreg $0x0  }
0xab: {  	s3 =	sshll.u32 s25, $0x1;
	[dreg:$0x2] =	wrdreg s1  }
0xac: {  	[dreg:$0x3] =	wrdreg s3  }
0xad: {  	[dreg:$0x4] =	wrdreg $0xC0  }
0xae: {  	_ =	task [dreg:s5], $0x5FFFF  }
0xaf: {  	[dreg:$0x1] =	wrdreg $0xFFFFFFFF  }
0xb0: {  	[dreg:$0x0] =	wrdreg $0x60  }
0xb1: {  	[dreg:$0x2] =	wrdreg s22  }
0xb2: {  	[dreg:$0x3] =	wrdreg s14  }
0xb3: {  	[dreg:$0x4] =	wrdreg $0x9  }
0xb4: {  	_ =	task.clear_ibuf [dreg:s5], $0x5FFFF;
	_ =	strace $0x90000046  }
0xb5: {  	s26 =	simm.s32 $0x9;
	_ =	strace $0x80000048  }
0xb6: {  	_ =	swait.ge [sflag:s26], $0x1  }
0xb7: {  	[sflag:s26] =	ssyncadd.s32 $0xFFFFFFFF  }
0xb8: {  	_ =	strace $0x90000048  }
0xb9: {  	_ =	sfence  }
0xba: {  	s28 =	sld [smem:$0x0];
	_ =	sdelay $0x1  }
0xbb: {  	s29 =	srdreg.scid  }
0xbc: {  	s30 =	sshll.u32 s29, $0xD;
	s31 =	sshrl.u32 s29, $0x2  }
0xbd: {  	s2 =	sand.u32 $0x4000, s30;
	s1 =	sand.u32 $0x1, s29;
	s0 =	sadd.s32 s31, s28  }
0xbe: {  	s1 =	sor.u32 s2, s1;
	s0 =	sshll.u32 s0, $0x11  }
0xbf: {  	s0 =	sor.u32 s0, s1  }
0xc0: {  	s0 =	sadd.s32 $0x8F2B, s0  }
0xc1: {  	[sflag:s0] =	ssyncadd.remote.s32 $0x1  }
0xc2: {  	_ =	sfence.sel $0xFFFF  }
0xc3: {  	[dreg:$0x0] =	wrdreg $0xFFFFFFFF;
	(pc) =	sbr.abs _section_cstart, $3  }
0xc4: {  	[dreg:$0x1] =	wrdreg $0xFFFFFFFF  }
0xc5: {  	_ =	task.clear_ibuf [dreg:s5], $0x2FFFF;
	_ =	strace $0x9FFFFFFF  }
0xc6: {  	(tm) =	ssettm $0x7FFFFFFF  }
0xc7: {  	_ =	shalt  }
tec
execute0_lowered:
.L_overlay_start_1:
0x0: {  	(tag) =	ssettag $0x1  }
0x1: {  	s0 =	rddreg [dreg:$0x0];
	s1 =	stileid.u32  }
0x2: {  	s2 =	rddreg [dreg:$0x1];
	s3 =	smul.u32 $0x24, s1  }
0x3: {  	s4 =	rddreg [dreg:$0x2];
	s5 =	simm.s32 $0x0  }
0x4: {  	[smem:$0x7FF] =	sst s5;
	s3 =	sadd.s32 s3, s0  }
0x5: {  	s25 =	simm.s32 $0x2;
	_ =	strace $0x80000047;
	s3 =	sadd.s32 $0x2400, s3  }
0x6: {  	[tilespmem:s5], [sflag:$0x2] =	stream.linear.gather [hbm4b:s3+s5], $0x120, $0x38;
	[tilespmem:$0x4920] =	vst v63  }
0x7: {  	_ =	swait.ge [sflag:s25], $0x120  }
0x8: {  	s6 =	simm.s32 $0x48;
	[sflag:s25] =	ssyncset.done $0x0  }
0x9: {  	s7 =	simm.s32 $0x120;
	s0 =	sadd.s32 $0x400, s0;
	[sflag:s25] =	ssyncadd.s32 $0xFFFFFEE0  }
0xa: {  	[tilespmem:s7], [sflag:$0x1] =	stream.indirect.gather [hbm4b:s0+s6], $0x40, s5, s6, $0xb8;
	[tilespmem:$0x4920] =	vst v63  }
0xb: {  	s8 =	simm.s32 $0x1320  }
0xc: {  	[tilespmem:s8], [sflag:$0x1] =	stream.indirect.gather [hbm4b:s0+s6], $0x40, s6, s6, $0xb8;
	[tilespmem:$0x4920] =	vst v63  }
0xd: {  	s26 =	simm.s32 $0x90;
	s9 =	simm.s32 $0x2520  }
0xe: {  	[tilespmem:s9], [sflag:$0x1] =	stream.indirect.gather [hbm4b:s0+s6], $0x40, s26, s6, $0xb8;
	[tilespmem:$0x4920] =	vst v63  }
0xf: {  	s28 =	simm.s32 $0xD8;
	s29 =	simm.s32 $0x3720;
	s30 =	simm.s32 $0x1  }
0x10: {  	[tilespmem:s29], [sflag:$0x1] =	stream.indirect.gather [hbm4b:s0+s6], $0x40, s28, s6, $0xb8;
	[tilespmem:$0x4920] =	vst v63  }
0x11: {  	_ =	swait.ge [sflag:s30], $0x1200  }
0x12: {  	[sflag:s30] =	ssyncset.done $0x0  }
0x13: {  	[sflag:s30] =	ssyncadd.s32 $0xFFFFEE00  }
0x14: {  	_ =	swait.ge [sflag:s30], $0x1200  }
0x15: {  	[sflag:s30] =	ssyncset.done $0x0  }
0x16: {  	[sflag:s30] =	ssyncadd.s32 $0xFFFFEE00  }
0x17: {  	_ =	swait.ge [sflag:s30], $0x1200  }
0x18: {  	[sflag:s30] =	ssyncset.done $0x0  }
0x19: {  	[sflag:s30] =	ssyncadd.s32 $0xFFFFEE00  }
0x1a: {  	s31 =	smul.u32 $0x900, s1;
	_ =	swait.ge [sflag:s30], $0x1200  }
0x1b: {  	[sflag:s30] =	ssyncset.done $0x0  }
0x1c: {  	s2 =	sadd.s32 s2, s31;
	[sflag:s30] =	ssyncadd.s32 $0xFFFFEE00  }
0x1d: {  	[hbm4b:s2+s5] =	stream.linear.scatter [tilespmem:s7], [sflag:$0x2], $0x4800, $0x38;
	[tilespmem:$0x4920] =	vst v63  }
0x1e: {  	_ =	swait.ge [sflag:s25], $0x4800  }
0x1f: {  	[sflag:s25] =	ssyncset.done $0x0  }
0x20: {  	[sflag:s25] =	ssyncadd.s32 $0xFFFFB800  }
0x21: {  	_ =	sfence.sel $0x180000  }
0x22: {  	[bflag:$0x0] =	sbarrier.arrive $0xFFFF  }
0x23: {  	p0 =	sne.s32 s1, $0x0;
	_ =	strace $0x90000047  }
0x24: {  	s0 =	sadd.s32 @!p0 $0x100000, s4;
	[bflag:$0x2] =	sbarrier.arrive $0xFFFF  }
0x25: {  	[sflag:s0] =	ssyncadd.tile.s32 @!p0 $0x1;
	_ =	shalt  }
.Lfunc_end2:
_tile_overlayer_lowered:
.L_overlay_start_2:
0x26: {  	(tag) =	ssettag $0x2  }
0x27: {  	s0 =	rddreg [dreg:$0x0];
	s2 =	stileid.u32  }
0x28: {  	s1 =	rddreg [dreg:$0x1];
	p0 =	sne.s32 s2, $0x0  }
0x29: {  	s3 =	rddreg [dreg:$0x2];
	[bflag:$0x3] =	sbarrier.arrive $0xFFFF;
	s2 =	simm.s32 @!p0 $0x1C02  }
0x2a: {  	[timem:s3], [sflag:s2] =	dma.local @!p0 [hbm:s0], s1  }
0x2b: {  	s0 =	simm.s32 @!p0 $0x2  }
0x2c: {  	_ =	swait.ge @!p0 [sflag:s0], s1  }
0x2d: {  	s1 =	ssub.s32 @!p0 $0x0, s1;
	[sflag:s0] =	ssyncset.done @!p0 $0x0  }
0x2e: {  	[sflag:s0] =	ssyncadd.s32 @!p0 s1  }
0x2f: {  	[bflag:$0x3] =	sbarrier.arrive $0xFFFF  }
0x30: {  	_ =	shalt  }

</sc_bundles>
